<compile_context>
chip_gen: v7x
topology: tpu7x:2x2x1
jax: 0.10.2.dev20260603
libtpu: 0.0.44.dev20260713+nightly
codegen_flags: <defaults>
</compile_context>

<pallas_src>
import functools

import jax
import jax.numpy as jnp
from jax import lax
from jax.experimental import pallas as pl
from jax.experimental.pallas import tpu as pltpu
from jax.experimental.pallas import tpu_sc as plsc

_NC = 2
_NS = 16
_NW = _NC * _NS
_C = 800


def _sc_body(idx_hbm, tab_hbm, out_hbm, idx_v, tab_v, buf_v):
    per_w = idx_hbm.shape[0] // _NW
    wid = lax.axis_index("s") * _NC + lax.axis_index("c")
    base = wid * per_w
    lane = lax.broadcasted_iota(jnp.int32, (16,), 0)

    pltpu.sync_copy(tab_hbm, tab_v)

    def chunk_body(c, carry):
        n0 = base + c * _C
        pltpu.sync_copy(idx_hbm.at[pl.ds(n0, _C)], idx_v)

        def vec_body(t, carry2):
            iv = idx_v[pl.ds(t * 16, 16)]
            addr0 = iv * 12
            row = t * 16 + lane
            for r in range(12):
                val = plsc.load_gather(tab_v, [addr0 + r])
                col = jnp.full((16,), r, jnp.int32)
                plsc.store_scatter(buf_v, [row, col], val)
            return carry2

        lax.fori_loop(0, _C // 16, vec_body, 0)
        pltpu.sync_copy(buf_v, out_hbm.at[pl.ds(n0, _C)])
        return carry

    lax.fori_loop(0, per_w // _C, chunk_body, 0)


def _sc_lookup(idx_flat, tab_flat):
    n_total = idx_flat.shape[0]
    mesh = plsc.VectorSubcoreMesh(core_axis_name="c", subcore_axis_name="s")
    return pl.kernel(
        _sc_body,
        out_type=jax.ShapeDtypeStruct((n_total, 12), jnp.float32),
        mesh=mesh,
        compiler_params=pltpu.CompilerParams(needs_layout_passes=False),
        scratch_types=[
            pltpu.VMEM((_C,), jnp.int32),
            pltpu.VMEM((128,), jnp.float32),
            pltpu.VMEM((_C, 12), jnp.float32),
        ],
    )(idx_flat, tab_flat)


def kernel(inputs, table):
    n_rows, n_cols = inputs.shape
    idx_flat = inputs.reshape(-1)
    tab_flat = jnp.pad(table.reshape(-1), (0, 128 - table.size))
    out2 = _sc_lookup(idx_flat, tab_flat)
    return out2.reshape(n_rows, n_cols, table.shape[1])

# --- scband reference (transcript-rebuilt; emitter-appended) ---
"""Pipeline reference for scband-my-model-87522843560577 (READ-ONLY COPY).

The authoritative reference and input builder live on the scoring server;
editing this copy changes nothing except your own understanding.
"""

import jax, jax.numpy as jnp
import numpy as np


def setup_inputs(seed: int = 0) -> dict:
    key = jax.random.key(seed)
    k1, k2 = jax.random.split(key)
    inputs = jax.random.randint(k1, (16384, 200), 0, 10, dtype=jnp.int32)
    # Embedding table per module: input_dim=10, output_dim=12, zeros initializer
    table = jnp.zeros((10, 12), dtype=jnp.float32)
    return {"inputs": inputs, "table": table}


def reference(inputs, table):
    # tf.keras.layers.Embedding -> row gather from the embedding table
    return jnp.take(table, inputs, axis=0)

if __name__ == "__main__":
    import jax
    _d = setup_inputs()
    print(jax.jit(kernel)(*tuple(_d.values())))

</pallas_src>

<mosaic_0001>
#map = affine_map<(d0, d1) -> (0)>
#map1 = affine_map<(d0, d1) -> (0, 0)>
module attributes {stable_mosaic.version = 14 : i64} {
  func.func @_sc_body(%arg0: i32, %arg1: i32, %arg2: memref<3276800xi32, #tpu.memory_space<hbm>>, %arg3: memref<128xf32, #tpu.memory_space<hbm>>, %arg4: memref<3276800x12xf32, #tpu.memory_space<hbm>>, %arg5: memref<800xi32, #tpu.memory_space<vmem>>, %arg6: memref<128xf32, #tpu.memory_space<vmem>>, %arg7: memref<800x12xf32, #tpu.memory_space<vmem>>) attributes {dimension_semantics = [#tpu.dimension_semantics<core_parallel>, #tpu.dimension_semantics<subcore_parallel>], iteration_bounds = array<i64: 2, 16>, scalar_prefetch = 0 : i64, scratch_operands = 3 : i64, tpu.core_type = #tpu.core_type<sc_vector_subcore>, window_params = [{transform_indices = #map}, {transform_indices = #map}, {transform_indices = #map1}]} {
    %mul3A = arith.constant 2 : i32
    %mul3A_0 = arith.muli %arg1, %mul3A : i32
    %add3A = arith.addi %mul3A_0, %arg0 : i32
    %mul3A_1 = arith.constant 102400 : i32
    %mul3A_2 = arith.muli %add3A, %mul3A_1 : i32
    %iota3A = tpu.iota {dimensions = array<i32: 0>} : vector<16xi32>
    "tpu.region"() ({
      %run_scoped3A = tpu.sem_alloc : memref<!tpu.dma_semaphore, #tpu.memory_space<semaphore_mem>>
      tpu.enqueue_dma source(%arg3 : memref<128xf32, #tpu.memory_space<hbm>>) target(%arg6 : memref<128xf32, #tpu.memory_space<vmem>>) target_semaphore(%run_scoped3A : memref<!tpu.dma_semaphore, #tpu.memory_space<semaphore_mem>>)
      tpu.wait_dma2 semaphore(%run_scoped3A : memref<!tpu.dma_semaphore, #tpu.memory_space<semaphore_mem>>) src(%arg3 : memref<128xf32, #tpu.memory_space<hbm>>) dst(%arg6 : memref<128xf32, #tpu.memory_space<vmem>>)
      tpu.yield
    }) : () -> ()
    %scan3A = arith.constant 0 : i32
    %scan3A_3 = arith.constant 0 : i32
    %scan3A_4 = arith.constant 128 : i32
    %scan3A_5 = arith.addi %scan3A_3, %scan3A_4 : i32
    %scan3A_6 = arith.constant 1 : i32
    scf.for %scan3A_8 = %scan3A_3 to %scan3A_5 step %scan3A_6  : i32 {
      %mul3A_9 = arith.constant 800 : i32
      %mul3A_10 = arith.muli %scan3A_8, %mul3A_9 : i32
      %add3A_11 = arith.addi %mul3A_2, %mul3A_10 : i32
      "tpu.region"() ({
        %run_scoped3A = tpu.sem_alloc : memref<!tpu.dma_semaphore, #tpu.memory_space<semaphore_mem>>
        %dma_start3A = tpu.memref_slice %arg2[%add3A_11] : memref<3276800xi32, #tpu.memory_space<hbm>> -> memref<800xi32, #tpu.memory_space<hbm>>
        %dma_start3A_18 = tpu.memref_slice %arg2[%add3A_11] : memref<3276800xi32, #tpu.memory_space<hbm>> -> memref<800xi32, #tpu.memory_space<hbm>>
        tpu.enqueue_dma source(%dma_start3A_18 : memref<800xi32, #tpu.memory_space<hbm>>) target(%arg5 : memref<800xi32, #tpu.memory_space<vmem>>) target_semaphore(%run_scoped3A : memref<!tpu.dma_semaphore, #tpu.memory_space<semaphore_mem>>)
        %dma_wait3A = tpu.memref_slice %arg2[%add3A_11] : memref<3276800xi32, #tpu.memory_space<hbm>> -> memref<800xi32, #tpu.memory_space<hbm>>
        %dma_wait3A_19 = tpu.memref_slice %arg2[%add3A_11] : memref<3276800xi32, #tpu.memory_space<hbm>> -> memref<800xi32, #tpu.memory_space<hbm>>
        tpu.wait_dma2 semaphore(%run_scoped3A : memref<!tpu.dma_semaphore, #tpu.memory_space<semaphore_mem>>) src(%dma_wait3A_19 : memref<800xi32, #tpu.memory_space<hbm>>) dst(%arg5 : memref<800xi32, #tpu.memory_space<vmem>>)
        tpu.yield
      }) : () -> ()
      %scan3A_12 = arith.constant 0 : i32
      %scan3A_13 = arith.constant 0 : i32
      %scan3A_14 = arith.constant 50 : i32
      %scan3A_15 = arith.addi %scan3A_13, %scan3A_14 : i32
      %scan3A_16 = arith.constant 1 : i32
      scf.for %scan3A_18 = %scan3A_13 to %scan3A_15 step %scan3A_16  : i32 {
        %mul3A_19 = arith.constant 16 : i32
        %mul3A_20 = arith.muli %scan3A_18, %mul3A_19 : i32
        %get3A = arith.index_cast %mul3A_20 : i32 to index
        %get3A_21 = tpu.vector_load %arg5[%get3A] {strides = array<i32>} : memref<800xi32, #tpu.memory_space<vmem>>, vector<16xi32>,
        %mul3A_22 = arith.constant 12 : i32
        %mul3A_23 = vector.broadcast %mul3A_22 : i32 to vector<16xi32>
        %mul3A_24 = arith.muli %get3A_21, %mul3A_23 : vector<16xi32>
        %mul3A_25 = arith.constant 16 : i32
        %mul3A_26 = arith.muli %scan3A_18, %mul3A_25 : i32
        %add3A_27 = vector.broadcast %mul3A_26 : i32 to vector<16xi32>
        %add3A_28 = arith.addi %add3A_27, %iota3A : vector<16xi32>
        %add3A_29 = arith.constant 0 : i32
        %add3A_30 = vector.broadcast %add3A_29 : i32 to vector<16xi32>
        %add3A_31 = arith.addi %mul3A_24, %add3A_30 : vector<16xi32>
        %gather3A = tpu.vector_load_idx %arg6[%add3A_31] : memref<128xf32, #tpu.memory_space<vmem>>[vector<16xi32>], vector<16xf32>,
        %broadcast_in_dim3A = arith.constant 0 : i32
        %broadcast_in_dim3A_32 = vector.broadcast %broadcast_in_dim3A : i32 to vector<16xi32>
        tpu.vector_store_idx %arg7[%add3A_28, %broadcast_in_dim3A_32], %gather3A : memref<800x12xf32, #tpu.memory_space<vmem>>[vector<16xi32>, vector<16xi32>], vector<16xf32>,
        %add3A_33 = arith.constant 1 : i32
        %add3A_34 = vector.broadcast %add3A_33 : i32 to vector<16xi32>
        %add3A_35 = arith.addi %mul3A_24, %add3A_34 : vector<16xi32>
        %gather3A_36 = tpu.vector_load_idx %arg6[%add3A_35] : memref<128xf32, #tpu.memory_space<vmem>>[vector<16xi32>], vector<16xf32>,
        %broadcast_in_dim3A_37 = arith.constant 1 : i32
        %broadcast_in_dim3A_38 = vector.broadcast %broadcast_in_dim3A_37 : i32 to vector<16xi32>
        tpu.vector_store_idx %arg7[%add3A_28, %broadcast_in_dim3A_38], %gather3A_36 : memref<800x12xf32, #tpu.memory_space<vmem>>[vector<16xi32>, vector<16xi32>], vector<16xf32>,
        %add3A_39 = arith.constant 2 : i32
        %add3A_40 = vector.broadcast %add3A_39 : i32 to vector<16xi32>
        %add3A_41 = arith.addi %mul3A_24, %add3A_40 : vector<16xi32>
        %gather3A_42 = tpu.vector_load_idx %arg6[%add3A_41] : memref<128xf32, #tpu.memory_space<vmem>>[vector<16xi32>], vector<16xf32>,
        %broadcast_in_dim3A_43 = arith.constant 2 : i32
        %broadcast_in_dim3A_44 = vector.broadcast %broadcast_in_dim3A_43 : i32 to vector<16xi32>
        tpu.vector_store_idx %arg7[%add3A_28, %broadcast_in_dim3A_44], %gather3A_42 : memref<800x12xf32, #tpu.memory_space<vmem>>[vector<16xi32>, vector<16xi32>], vector<16xf32>,
        %add3A_45 = arith.constant 3 : i32
        %add3A_46 = vector.broadcast %add3A_45 : i32 to vector<16xi32>
        %add3A_47 = arith.addi %mul3A_24, %add3A_46 : vector<16xi32>
        %gather3A_48 = tpu.vector_load_idx %arg6[%add3A_47] : memref<128xf32, #tpu.memory_space<vmem>>[vector<16xi32>], vector<16xf32>,
        %broadcast_in_dim3A_49 = arith.constant 3 : i32
        %broadcast_in_dim3A_50 = vector.broadcast %broadcast_in_dim3A_49 : i32 to vector<16xi32>
        tpu.vector_store_idx %arg7[%add3A_28, %broadcast_in_dim3A_50], %gather3A_48 : memref<800x12xf32, #tpu.memory_space<vmem>>[vector<16xi32>, vector<16xi32>], vector<16xf32>,
        %add3A_51 = arith.constant 4 : i32
        %add3A_52 = vector.broadcast %add3A_51 : i32 to vector<16xi32>
        %add3A_53 = arith.addi %mul3A_24, %add3A_52 : vector<16xi32>
        %gather3A_54 = tpu.vector_load_idx %arg6[%add3A_53] : memref<128xf32, #tpu.memory_space<vmem>>[vector<16xi32>], vector<16xf32>,
        %broadcast_in_dim3A_55 = arith.constant 4 : i32
        %broadcast_in_dim3A_56 = vector.broadcast %broadcast_in_dim3A_55 : i32 to vector<16xi32>
        tpu.vector_store_idx %arg7[%add3A_28, %broadcast_in_dim3A_56], %gather3A_54 : memref<800x12xf32, #tpu.memory_space<vmem>>[vector<16xi32>, vector<16xi32>], vector<16xf32>,
        %add3A_57 = arith.constant 5 : i32
        %add3A_58 = vector.broadcast %add3A_57 : i32 to vector<16xi32>
        %add3A_59 = arith.addi %mul3A_24, %add3A_58 : vector<16xi32>
        %gather3A_60 = tpu.vector_load_idx %arg6[%add3A_59] : memref<128xf32, #tpu.memory_space<vmem>>[vector<16xi32>], vector<16xf32>,
        %broadcast_in_dim3A_61 = arith.constant 5 : i32
        %broadcast_in_dim3A_62 = vector.broadcast %broadcast_in_dim3A_61 : i32 to vector<16xi32>
        tpu.vector_store_idx %arg7[%add3A_28, %broadcast_in_dim3A_62], %gather3A_60 : memref<800x12xf32, #tpu.memory_space<vmem>>[vector<16xi32>, vector<16xi32>], vector<16xf32>,
        %add3A_63 = arith.constant 6 : i32
        %add3A_64 = vector.broadcast %add3A_63 : i32 to vector<16xi32>
        %add3A_65 = arith.addi %mul3A_24, %add3A_64 : vector<16xi32>
        %gather3A_66 = tpu.vector_load_idx %arg6[%add3A_65] : memref<128xf32, #tpu.memory_space<vmem>>[vector<16xi32>], vector<16xf32>,
        %broadcast_in_dim3A_67 = arith.constant 6 : i32
        %broadcast_in_dim3A_68 = vector.broadcast %broadcast_in_dim3A_67 : i32 to vector<16xi32>
        tpu.vector_store_idx %arg7[%add3A_28, %broadcast_in_dim3A_68], %gather3A_66 : memref<800x12xf32, #tpu.memory_space<vmem>>[vector<16xi32>, vector<16xi32>], vector<16xf32>,
        %add3A_69 = arith.constant 7 : i32
        %add3A_70 = vector.broadcast %add3A_69 : i32 to vector<16xi32>
        %add3A_71 = arith.addi %mul3A_24, %add3A_70 : vector<16xi32>
        %gather3A_72 = tpu.vector_load_idx %arg6[%add3A_71] : memref<128xf32, #tpu.memory_space<vmem>>[vector<16xi32>], vector<16xf32>,
        %broadcast_in_dim3A_73 = arith.constant 7 : i32
        %broadcast_in_dim3A_74 = vector.broadcast %broadcast_in_dim3A_73 : i32 to vector<16xi32>
        tpu.vector_store_idx %arg7[%add3A_28, %broadcast_in_dim3A_74], %gather3A_72 : memref<800x12xf32, #tpu.memory_space<vmem>>[vector<16xi32>, vector<16xi32>], vector<16xf32>,
        %add3A_75 = arith.constant 8 : i32
        %add3A_76 = vector.broadcast %add3A_75 : i32 to vector<16xi32>
        %add3A_77 = arith.addi %mul3A_24, %add3A_76 : vector<16xi32>
        %gather3A_78 = tpu.vector_load_idx %arg6[%add3A_77] : memref<128xf32, #tpu.memory_space<vmem>>[vector<16xi32>], vector<16xf32>,
        %broadcast_in_dim3A_79 = arith.constant 8 : i32
        %broadcast_in_dim3A_80 = vector.broadcast %broadcast_in_dim3A_79 : i32 to vector<16xi32>
        tpu.vector_store_idx %arg7[%add3A_28, %broadcast_in_dim3A_80], %gather3A_78 : memref<800x12xf32, #tpu.memory_space<vmem>>[vector<16xi32>, vector<16xi32>], vector<16xf32>,
        %add3A_81 = arith.constant 9 : i32
        %add3A_82 = vector.broadcast %add3A_81 : i32 to vector<16xi32>
        %add3A_83 = arith.addi %mul3A_24, %add3A_82 : vector<16xi32>
        %gather3A_84 = tpu.vector_load_idx %arg6[%add3A_83] : memref<128xf32, #tpu.memory_space<vmem>>[vector<16xi32>], vector<16xf32>,
        %broadcast_in_dim3A_85 = arith.constant 9 : i32
        %broadcast_in_dim3A_86 = vector.broadcast %broadcast_in_dim3A_85 : i32 to vector<16xi32>
        tpu.vector_store_idx %arg7[%add3A_28, %broadcast_in_dim3A_86], %gather3A_84 : memref<800x12xf32, #tpu.memory_space<vmem>>[vector<16xi32>, vector<16xi32>], vector<16xf32>,
        %add3A_87 = arith.constant 10 : i32
        %add3A_88 = vector.broadcast %add3A_87 : i32 to vector<16xi32>
        %add3A_89 = arith.addi %mul3A_24, %add3A_88 : vector<16xi32>
        %gather3A_90 = tpu.vector_load_idx %arg6[%add3A_89] : memref<128xf32, #tpu.memory_space<vmem>>[vector<16xi32>], vector<16xf32>,
        %broadcast_in_dim3A_91 = arith.constant 10 : i32
        %broadcast_in_dim3A_92 = vector.broadcast %broadcast_in_dim3A_91 : i32 to vector<16xi32>
        tpu.vector_store_idx %arg7[%add3A_28, %broadcast_in_dim3A_92], %gather3A_90 : memref<800x12xf32, #tpu.memory_space<vmem>>[vector<16xi32>, vector<16xi32>], vector<16xf32>,
        %add3A_93 = arith.constant 11 : i32
        %add3A_94 = vector.broadcast %add3A_93 : i32 to vector<16xi32>
        %add3A_95 = arith.addi %mul3A_24, %add3A_94 : vector<16xi32>
        %gather3A_96 = tpu.vector_load_idx %arg6[%add3A_95] : memref<128xf32, #tpu.memory_space<vmem>>[vector<16xi32>], vector<16xf32>,
        %broadcast_in_dim3A_97 = arith.constant 11 : i32
        %broadcast_in_dim3A_98 = vector.broadcast %broadcast_in_dim3A_97 : i32 to vector<16xi32>
        tpu.vector_store_idx %arg7[%add3A_28, %broadcast_in_dim3A_98], %gather3A_96 : memref<800x12xf32, #tpu.memory_space<vmem>>[vector<16xi32>, vector<16xi32>], vector<16xf32>,
      }
      %scan3A_17 = arith.constant 50 : i32
      "tpu.region"() ({
        %run_scoped3A = tpu.sem_alloc : memref<!tpu.dma_semaphore, #tpu.memory_space<semaphore_mem>>
        %dma_start3A = arith.constant 0 : i32
        %dma_start3A_18 = tpu.memref_slice %arg4[%add3A_11, %dma_start3A] : memref<3276800x12xf32, #tpu.memory_space<hbm>> -> memref<800x12xf32, #tpu.memory_space<hbm>>
        %dma_start3A_19 = arith.constant 0 : i32
        %dma_start3A_20 = tpu.memref_slice %arg4[%add3A_11, %dma_start3A_19] : memref<3276800x12xf32, #tpu.memory_space<hbm>> -> memref<800x12xf32, #tpu.memory_space<hbm>>
        tpu.enqueue_dma source(%arg7 : memref<800x12xf32, #tpu.memory_space<vmem>>) target(%dma_start3A_20 : memref<800x12xf32, #tpu.memory_space<hbm>>) target_semaphore(%run_scoped3A : memref<!tpu.dma_semaphore, #tpu.memory_space<semaphore_mem>>)
        %dma_wait3A = arith.constant 0 : i32
        %dma_wait3A_21 = tpu.memref_slice %arg4[%add3A_11, %dma_wait3A] : memref<3276800x12xf32, #tpu.memory_space<hbm>> -> memref<800x12xf32, #tpu.memory_space<hbm>>
        %dma_wait3A_22 = arith.constant 0 : i32
        %dma_wait3A_23 = tpu.memref_slice %arg4[%add3A_11, %dma_wait3A_22] : memref<3276800x12xf32, #tpu.memory_space<hbm>> -> memref<800x12xf32, #tpu.memory_space<hbm>>
        tpu.wait_dma2 semaphore(%run_scoped3A : memref<!tpu.dma_semaphore, #tpu.memory_space<semaphore_mem>>) src(%arg7 : memref<800x12xf32, #tpu.memory_space<vmem>>) dst(%dma_wait3A_23 : memref<800x12xf32, #tpu.memory_space<hbm>>)
        tpu.yield
      }) : () -> ()
    }
    %scan3A_7 = arith.constant 128 : i32
    return
  }
}

</mosaic_0001>

<sc_bundles>
// kernel: kernel.3.cloned.1.call-start
scs
__scs_entry_jumppad:
0x0: {  	(pc) =	sbr.rel $0x88, $3  }
0x1: {  	(tag) =	ssettag $0x0;
	lr =	simm.s32 $0x1  }
0x2: {  	[smem:$0x3F9F] =	sst lr;
	_ =	strace $0xD0000000  }
0x3: {  	_ = 	snop  }
0x4: {  	_ = 	snop  }
0x5: {  	_ = 	snop  }
0x6: {  	_ = 	snop  }
0x7: {  	_ = 	snop  }
__scs_overlays_trampoline_lowered:
0x8: {  	[smem:$0x3FAE] =	sst s0  }
0x9: {  	[smem:$0x3FAF] =	sst s1  }
0xa: {  	[smem:$0x3FB0] =	sst s2  }
0xb: {  	[smem:$0x3FB1] =	sst s3  }
0xc: {  	[smem:$0x3FB2] =	sst s4  }
0xd: {  	[smem:$0x3FB3] =	sst s5  }
0xe: {  	[smem:$0x3FB4] =	sst s6  }
0xf: {  	[smem:$0x3FB5] =	sst s7  }
0x10: {  	[smem:$0x3FB6] =	sst s8  }
0x11: {  	[smem:$0x3FB7] =	sst s9;
	s0 =	simm.s32 @!p0 $0x0  }
0x12: {  	s1 =	sld [smem:$0x3F9D];
	s0 =	simm.s32 @p0 $0x1  }
0x13: {  	[smem:$0x3FB8] =	sst s0;
	s0 =	simm.s32 @!p1 $0x0  }
0x14: {  	s2 =	sld [smem:$0x3F9C];
	s0 =	simm.s32 @p1 $0x1  }
0x15: {  	[smem:$0x3FB9] =	sst s0;
	s0 =	simm.s32 @!p2 $0x0  }
0x16: {  	s3 =	sld [smem:$0x3FDB];
	s0 =	simm.s32 @p2 $0x1  }
0x17: {  	s4 =	simm.s32 $0x1BF5;
	[smem:$0x3FBB] =	sst s0  }
0x18: {  	s0 =	sld [smem:$0x3F9E];
	_ =	swait.ge [sflag:s4], $0x0  }
0x19: {  	s7 =	sld [smem:$0x3F9F]  }
0x1a: {  	s8 =	sadd.s32 $0xFFFFE003, lr  }
0x1b: {  	s9 =	sadd.s32 $0xFFFFFEF7, lr;
	s5 =	simm.s32 $0xFFFFFFFF;
	p2 =	slt.u32 s8, $0xFFFFF086  }
0x1c: {  	p1 =	slt.u32 s9, $0xF7A;
	s5 =	simm.s32 @!p2 $0x0  }
0x1d: {  	s5 =	simm.s32 @p1 $0x1;
	p0 =	seq.s32 s7, s2  }
0x1e: {  	s7 =	smul.u32 @!p0 $0xF7A, s2;
	p2 =	seq.s32 @!p0 s5, $0x0  }
0x1f: {  	s9 =	smul.u32 $0xF7A, s1;
	s8 =	simm.s32 @!p0 $0x1BF5;
	p2 =	por !p2, p0  }
0x20: {  	[sflag:s8] =	ssyncset.s32 @!p0 $0xFFFFF086;
	s6 =	sadd.s32 @!p0 s3, s7;
	s7 =	simm.s32 @!p0 $0x108  }
0x21: {  	s3 =	sadd.s32 s3, s9;
	s6 =	sadd.s32 @!p0 $0x88, s6;
	s7 =	simm.s32 @p2 $0x1082  }
0x22: {  	[simem:s7], [sflag:s8] =	dma.local @!p0 [hbm:s6], $0xF7A  }
0x23: {  	s9 =	sor.u32 $0xD0000000, s2;
	s6 =	simm.s32 $0x108;
	_ =	swait.ge @!p0 [sflag:s8], $0x0  }
0x24: {  	s3 =	sadd.s32 $0x88, s3;
	s6 =	simm.s32 @!p1 $0x1082;
	[sflag:s4] =	ssyncset.s32 $0xFFFFF086  }
0x25: {  	[simem:s6], [sflag:s4] =	dma.local [hbm:s3], $0xF7A  }
0x26: {  	[smem:$0x3F9F] =	sst s1;
	(tag) =	ssettag s2;
	_ =	strace s9  }
0x27: {  	s1 =	sld [smem:$0x3FAF]  }
0x28: {  	s2 =	sld [smem:$0x3FB0]  }
0x29: {  	s4 =	sld [smem:$0x3FB2]  }
0x2a: {  	p0 =	seq.s32 s5, $0x0;
	s5 =	sld [smem:$0x3FB3]  }
0x2b: {  	s6 =	sld [smem:$0x3FB4]  }
0x2c: {  	s7 =	sld [smem:$0x3FB5]  }
0x2d: {  	s3 =	simm.s32 $0x108;
	s8 =	sld [smem:$0x3FB6]  }
0x2e: {  	s3 =	simm.s32 @!p0 $0x1082;
	s9 =	sld [smem:$0x3FB7]  }
0x2f: {  	lr =	sadd.s32 s0, s3;
	s0 =	sld [smem:$0x3FAE]  }
0x30: {  	s3 =	sld [smem:$0x3FB1]  }
0x31: {  	[smem:$0x3FBA] =	sst s10  }
0x32: {  	s10 =	sld [smem:$0x3FB8];
	_ =	sdelay $0x3  }
0x33: {  	p0 =	seq.s32 s10, $0x1;
	s10 =	sld [smem:$0x3FBA];
	_ =	sdelay $0x3  }
0x34: {  	[smem:$0x3FBA] =	sst s10  }
0x35: {  	s10 =	sld [smem:$0x3FB9];
	_ =	sdelay $0x3  }
0x36: {  	p1 =	seq.s32 s10, $0x1;
	s10 =	sld [smem:$0x3FBA];
	_ =	sdelay $0x3  }
0x37: {  	[smem:$0x3FBA] =	sst s10  }
0x38: {  	s10 =	sld [smem:$0x3FBB]  }
0x39: {  	_ = 	snop;
	(pc) =	sbr.ind lr, $3  }
0x3a: {  	_ = 	snop  }
0x3b: {  	_ = 	snop  }
0x3c: {  	p2 =	seq.s32 s10, $0x1;
	s10 =	sld [smem:$0x3FBA]  }
0x3d: {  	_ =	shalt  }
0x3e: {  	_ =	shalt  }
0x3f: {  	_ =	shalt  }
0x40: {  	_ =	shalt  }
0x41: {  	_ =	shalt  }
0x42: {  	_ =	shalt  }
0x43: {  	_ =	shalt  }
0x44: {  	_ =	shalt  }
0x45: {  	_ =	shalt  }
0x46: {  	_ =	shalt  }
0x47: {  	_ =	shalt  }
0x48: {  	_ =	shalt  }
0x49: {  	_ =	shalt  }
0x4a: {  	_ =	shalt  }
0x4b: {  	_ =	shalt  }
0x4c: {  	_ =	shalt  }
0x4d: {  	_ =	shalt  }
0x4e: {  	_ =	shalt  }
0x4f: {  	_ =	shalt  }
0x50: {  	_ =	shalt  }
0x51: {  	_ =	shalt  }
0x52: {  	_ =	shalt  }
0x53: {  	_ =	shalt  }
0x54: {  	_ =	shalt  }
0x55: {  	_ =	shalt  }
0x56: {  	_ =	shalt  }
0x57: {  	_ =	shalt  }
0x58: {  	_ =	shalt  }
0x59: {  	_ =	shalt  }
0x5a: {  	_ =	shalt  }
0x5b: {  	_ =	shalt  }
0x5c: {  	_ =	shalt  }
0x5d: {  	_ =	shalt  }
0x5e: {  	_ =	shalt  }
0x5f: {  	_ =	shalt  }
0x60: {  	_ =	shalt  }
0x61: {  	_ =	shalt  }
0x62: {  	_ =	shalt  }
0x63: {  	_ =	shalt  }
0x64: {  	_ =	shalt  }
0x65: {  	_ =	shalt  }
0x66: {  	_ =	shalt  }
0x67: {  	_ =	shalt  }
0x68: {  	_ =	shalt  }
0x69: {  	_ =	shalt  }
0x6a: {  	_ =	shalt  }
0x6b: {  	_ =	shalt  }
0x6c: {  	_ =	shalt  }
0x6d: {  	_ =	shalt  }
0x6e: {  	_ =	shalt  }
0x6f: {  	_ =	shalt  }
0x70: {  	_ =	shalt  }
0x71: {  	_ =	shalt  }
0x72: {  	_ =	shalt  }
0x73: {  	_ =	shalt  }
0x74: {  	_ =	shalt  }
0x75: {  	_ =	shalt  }
0x76: {  	_ =	shalt  }
0x77: {  	_ =	shalt  }
0x78: {  	_ =	shalt  }
0x79: {  	_ =	shalt  }
0x7a: {  	_ =	shalt  }
0x7b: {  	_ =	shalt  }
0x7c: {  	_ =	shalt  }
0x7d: {  	_ =	shalt  }
0x7e: {  	_ =	shalt  }
0x7f: {  	_ =	shalt  }
0x80: {  	_ =	shalt  }
0x81: {  	_ =	shalt  }
0x82: {  	_ =	shalt  }
0x83: {  	_ =	shalt  }
0x84: {  	_ =	shalt  }
0x85: {  	_ =	shalt  }
0x86: {  	_ =	shalt  }
0x87: {  	_ =	shalt  }
.Lfunc_end0:
.L_simem_size_0:
called_computation.1_lowered:
.L_overlay_start_0:
0x88: {  	s2 =	sld [smem:$0x3FD9]  }
0x89: {  	s3 =	sld [smem:$0x3FFE];
	_ =	sdelay $0x1  }
0x8a: {  	s1 =	srdreg.scid  }
0x8b: {  	s0 =	sand.u32 $0x1, s1  }
0x8c: {  	s17 =	sshll.u32 s0, $0xA;
	s2 =	sadd.s32 s3, s2  }
0x8d: {  	s2 =	sadd.s32 s2, s17  }
0x8e: {  	[smem:$0x3FC6] =	sst s2  }
0x8f: {  	_ = 	snop  }
0x90: {  	s2 =	sld [smem:$0x3FD0];
	(tm) =	ssettm $0x1  }
0x91: {  	s18 =	sld [smem:$0x3FFB];
	_ =	sdelay $0x3  }
0x92: {  	_ =	strace s18  }
0x93: {  	s3 =	sld [smem:$0x3FFC];
	_ =	sdelay $0x3  }
0x94: {  	_ =	strace s3  }
0x95: {  	s3 =	sld [smem:$0x3FFD];
	_ =	sdelay $0x3  }
0x96: {  	_ =	strace s3  }
0x97: {  	_ =	strace $0x8FFFFFFF  }
0x98: {  	s19 =	sld [smem:$0x3FDB];
	_ =	sdelay $0x1  }
0x99: {  	s4 =	simm.s32 $_scs_section_size  }
0x9a: {  	s5 =	simm.s32 $_size__tile_overlayer_lowered;
	s6 =	simm.s32 $_tile_overlayer_lowered  }
0x9b: {  	s22 =	simm.s32 $0x1BFF;
	s21 =	sshll.u32 s6, $0x1;
	s3 =	sadd.s32 s4, s19  }
0x9c: {  	s7 =	simm.s32 $0x0;
	s20 =	sshll.u32 s5, $0x1;
	s5 =	sadd.s32 s21, s3  }
0x9d: {  	[timem:s7], [sflag:s22] =	dma.local [hbm:s5], s20  }
0x9e: {  	_ =	swait.ge [sflag:s22], s20  }
0x9f: {  	s4 =	ssub.s32 $0x0, s20;
	[sflag:s22] =	ssyncset.done $0x0  }
0xa0: {  	[sflag:s22] =	ssyncadd.s32 s4;
	_ =	sdelay $0x1  }
0xa1: {  	s23 =	simm.s32 $0x1B8B  }
0xa2: {  	_ =	swait.ge [sflag:s23], $0x1  }
0xa3: {  	[sflag:s23] =	ssyncset.done $0x0  }
0xa4: {  	s25 =	simm.s32 $0x1B8E;
	s24 =	sld [smem:$0x3FFE];
	[sflag:s23] =	ssyncadd.s32 $0xFFFFFFFF  }
0xa5: {  	s26 =	simm.s32 $execute0_lowered;
	[smem:$0x3FD2] =	sst s25  }
0xa6: {  	s5 =	sshll.u32 s26, $0x1;
	_ =	strace $0x80000046;
	[dreg:$0x1] =	wrdreg $0xFFFFFFFF  }
0xa7: {  	s28 =	simm.s32 $_size_execute0_lowered;
	s3 =	sadd.s32 s3, s5;
	[dreg:$0x0] =	wrdreg $0x0  }
0xa8: {  	s5 =	sshll.u32 s28, $0x1;
	[dreg:$0x2] =	wrdreg s3  }
0xa9: {  	[dreg:$0x3] =	wrdreg s5  }
0xaa: {  	[dreg:$0x4] =	wrdreg $0xC0  }
0xab: {  	_ =	task [dreg:s7], $0x5FFFF  }
0xac: {  	[dreg:$0x1] =	wrdreg $0xFFFFFFFF  }
0xad: {  	[dreg:$0x0] =	wrdreg $0x60  }
0xae: {  	[dreg:$0x2] =	wrdreg s2  }
0xaf: {  	[dreg:$0x3] =	wrdreg s24  }
0xb0: {  	[dreg:$0x4] =	wrdreg $0x9  }
0xb1: {  	_ =	task.clear_ibuf [dreg:s7], $0x5FFFF;
	_ =	strace $0x90000046  }
0xb2: {  	s29 =	simm.s32 $0x9;
	_ =	strace $0x80000048  }
0xb3: {  	_ =	swait.ge [sflag:s29], $0x1  }
0xb4: {  	[sflag:s29] =	ssyncadd.s32 $0xFFFFFFFF  }
0xb5: {  	_ =	strace $0x90000048  }
0xb6: {  	_ =	sfence  }
0xb7: {  	s30 =	sld [smem:$0x0];
	_ =	sdelay $0x2  }
0xb8: {  	s31 =	sshll.u32 s1, $0xD;
	s1 =	sshrl.u32 s1, $0x2  }
0xb9: {  	s3 =	sand.u32 $0x4000, s31;
	s1 =	sadd.s32 s1, s30  }
0xba: {  	s0 =	sor.u32 s3, s0;
	s1 =	sshll.u32 s1, $0x11  }
0xbb: {  	s0 =	sor.u32 s1, s0  }
0xbc: {  	s0 =	sadd.s32 $0x8F2B, s0  }
0xbd: {  	[sflag:s0] =	ssyncadd.remote.s32 $0x1  }
0xbe: {  	_ =	sfence.sel $0xFFFF  }
0xbf: {  	[dreg:$0x0] =	wrdreg $0xFFFFFFFF;
	(pc) =	sbr.abs _section_cstart, $3  }
0xc0: {  	[dreg:$0x1] =	wrdreg $0xFFFFFFFF  }
0xc1: {  	_ =	task.clear_ibuf [dreg:s7], $0x2FFFF;
	_ =	strace $0x9FFFFFFF  }
0xc2: {  	(tm) =	ssettm $0x7FFFFFFF  }
0xc3: {  	_ =	shalt  }
tec
execute0_lowered:
.L_overlay_start_1:
0x0: {  	(tag) =	ssettag $0x1  }
0x1: {  	s1 =	rddreg [dreg:$0x0]  }
0x2: {  	s5 =	rddreg [dreg:$0x1]  }
0x3: {  	s0 =	rddreg [dreg:$0x2];
	s2 =	simm.s32 $0x0  }
0x4: {  	s3 =	srdreg.scid;
	s10 =	simm.s32 $0x400;
	s11 =	simm.s32 $0x0  }
0x5: {  	[smem:$0x7FF] =	sst s2;
	s6 =	sand.u32 $0x1, s3;
	s3 =	stileid.u32  }
0x6: {  	s4 =	sadd.s32 $0x800, s5;
	s5 =	sadd.s32 $0xA00, s5;
	s7 =	ssub.s32 $0x2, s6  }
0x7: {  	_ =	strace $0x80000047;
	s9 =	sshll.u32 s3, $0x1;
	s8 =	sshrl.u32 s7, $0x1  }
0x8: {  	v0 =	vlaneseq.u32;
	s6 =	sor.u32 s6, s9;
	s9 =	simm.s32 $0x1;
	s7 =	ssub.s32 s7, s8  }
0x9: {  	v0 =	vmul.u32 $0x80, v0;
	s6 =	smul.u32 $0x19000, s6;
	s8 =	simm.s32 $0x380;
	s7 =	smax.u32 s7, $0x1  }
.LBB2_1:
0xa: {  	[tilespmem:s8], [sflag:$0x1] =	stream.linear.gather [hbm4b:s4+s2], $0x80, $0x38;
	[tilespmem:$0x19400] =	vst v63  }
0xb: {  	_ =	swait.ge [sflag:s9], $0x80  }
0xc: {  	[sflag:s9] =	ssyncset.done $0x0  }
0xd: {  	s12 =	simm.s32 $0x0;
	[sflag:s9] =	ssyncadd.s32 $0xFFFFFF80  }
.LBB2_2:
0xe: {  	s13 =	smul.u32 $0x320, s12;
	_ =	sdelay $0x1  }
0xf: {  	s13 =	sadd.s32 s6, s13  }
0x10: {  	s14 =	sshrl.u32 s13, $0x3  }
0x11: {  	s15 =	sadd.s32 s1, s14;
	s14 =	simm.s32 $0x0  }
0x12: {  	[tilespmem:s14], [sflag:$0x1] =	stream.linear.gather [hbm4b:s15+s14], $0x320, $0x38;
	[tilespmem:$0x19400] =	vst v63  }
0x13: {  	_ =	swait.ge [sflag:s9], $0x320  }
0x14: {  	[sflag:s9] =	ssyncset.done $0x0  }
0x15: {  	[sflag:s9] =	ssyncadd.s32 $0xFFFFFCE0  }
0x16: {  	v1 =	vld [tilespmem:s14+$0x0];
	_ =	sdelay $0x4  }
0x17: {  	v1 =	vmul.u32 $0xC, v1;
	_ =	sdelay $0x3  }
0x18: {  	v2 =	vmov s14  }
0x19: {  	v2 =	vshll.u32 v2, $0x7  }
0x1a: {  	v2 =	vor.u32 v0, v2;
	v3 =	vld.idx.msk [tilespmem:v1+s8+$0x0], $0xffff  }
0x1b: {  	v4 =	vor.u32 $0x1, v1;
	_ =	sdelay $0x3  }
0x1c: {  	[tilespmem:v2+s10+$0x0] =	vst.idx.msk $0xffff, v3  }
0x1d: {  	v46 =	vor.u32 $0x1, v2;
	v3 =	vld.idx.msk [tilespmem:v4+s8+$0x0], $0xffff  }
0x1e: {  	v5 =	vor.u32 $0x2, v1;
	_ =	sdelay $0x3  }
0x1f: {  	[tilespmem:v46+s10+$0x0] =	vst.idx.msk $0xffff, v3  }
0x20: {  	v47 =	vor.u32 $0x2, v2;
	v3 =	vld.idx.msk [tilespmem:v5+s8+$0x0], $0xffff  }
0x21: {  	v48 =	vor.u32 $0x3, v1;
	_ =	sdelay $0x3  }
0x22: {  	[tilespmem:v47+s10+$0x0] =	vst.idx.msk $0xffff, v3  }
0x23: {  	v49 =	vor.u32 $0x3, v2;
	v3 =	vld.idx.msk [tilespmem:v48+s8+$0x0], $0xffff  }
0x24: {  	v50 =	vadd.s32 $0x4, v1;
	_ =	sdelay $0x3  }
0x25: {  	[tilespmem:v49+s10+$0x0] =	vst.idx.msk $0xffff, v3  }
0x26: {  	v51 =	vor.u32 $0x4, v2;
	v3 =	vld.idx.msk [tilespmem:v50+s8+$0x0], $0xffff  }
0x27: {  	v52 =	vadd.s32 $0x5, v1;
	_ =	sdelay $0x3  }
0x28: {  	[tilespmem:v51+s10+$0x0] =	vst.idx.msk $0xffff, v3  }
0x29: {  	v53 =	vor.u32 $0x5, v2;
	v3 =	vld.idx.msk [tilespmem:v52+s8+$0x0], $0xffff  }
0x2a: {  	v54 =	vadd.s32 $0x6, v1;
	_ =	sdelay $0x3  }
0x2b: {  	[tilespmem:v53+s10+$0x0] =	vst.idx.msk $0xffff, v3  }
0x2c: {  	v55 =	vor.u32 $0x6, v2;
	v3 =	vld.idx.msk [tilespmem:v54+s8+$0x0], $0xffff  }
0x2d: {  	v56 =	vadd.s32 $0x7, v1;
	_ =	sdelay $0x3  }
0x2e: {  	[tilespmem:v55+s10+$0x0] =	vst.idx.msk $0xffff, v3  }
0x2f: {  	v57 =	vor.u32 $0x7, v2;
	v3 =	vld.idx.msk [tilespmem:v56+s8+$0x0], $0xffff  }
0x30: {  	v58 =	vadd.s32 $0x8, v1;
	_ =	sdelay $0x3  }
0x31: {  	[tilespmem:v57+s10+$0x0] =	vst.idx.msk $0xffff, v3  }
0x32: {  	v59 =	vor.u32 $0x8, v2;
	v3 =	vld.idx.msk [tilespmem:v58+s8+$0x0], $0xffff  }
0x33: {  	v60 =	vadd.s32 $0x9, v1;
	_ =	sdelay $0x3  }
0x34: {  	[tilespmem:v59+s10+$0x0] =	vst.idx.msk $0xffff, v3  }
0x35: {  	v61 =	vor.u32 $0x9, v2;
	v3 =	vld.idx.msk [tilespmem:v60+s8+$0x0], $0xffff  }
0x36: {  	v62 =	vadd.s32 $0xA, v1;
	_ =	sdelay $0x3  }
0x37: {  	[tilespmem:v61+s10+$0x0] =	vst.idx.msk $0xffff, v3  }
0x38: {  	v63 =	vor.u32 $0xA, v2;
	v3 =	vld.idx.msk [tilespmem:v62+s8+$0x0], $0xffff  }
0x39: {  	v1 =	vadd.s32 $0xB, v1;
	_ =	sdelay $0x3  }
0x3a: {  	[tilespmem:v63+s10+$0x0] =	vst.idx.msk $0xffff, v3  }
0x3b: {  	s15 =	simm.s32 $0x10;
	v2 =	vor.u32 $0xB, v2;
	v1 =	vld.idx.msk [tilespmem:v1+s8+$0x0], $0xffff  }
.LBB2_3:
0x3c: {  	_ =	sdelay $0x2  }
0x3d: {  	p0 =	sne.s32 s15, $0x310  }
0x3e: {  	s14 =	sadd.s32 $0x10, s14;
	s16 =	smov.u32 s15;
	s15 =	sadd.s32 $0x10, s15;
	[tilespmem:v2+s10+$0x0] =	vst.idx.msk $0xffff, v1  }
0x3f: {  	v1 =	vld [tilespmem:s14+$0x0];
	_ =	sdelay $0x4  }
0x40: {  	v1 =	vmul.u32 $0xC, v1;
	_ =	sdelay $0x4  }
0x41: {  	v2 =	vmov s16  }
0x42: {  	v2 =	vshll.u32 v2, $0x7;
	v3 =	vld.idx.msk [tilespmem:v1+s8+$0x0], $0xffff  }
0x43: {  	v2 =	vor.u32 v0, v2  }
0x44: {  	v4 =	vor.u32 $0x1, v1;
	_ =	sdelay $0x3  }
0x45: {  	[tilespmem:v2+s10+$0x0] =	vst.idx.msk $0xffff, v3  }
0x46: {  	v3 =	vld.idx.msk [tilespmem:v4+s8+$0x0], $0xffff  }
0x47: {  	v4 =	vor.u32 $0x1, v2  }
0x48: {  	v5 =	vor.u32 $0x2, v1;
	_ =	sdelay $0x3  }
0x49: {  	[tilespmem:v4+s10+$0x0] =	vst.idx.msk $0xffff, v3  }
0x4a: {  	v3 =	vld.idx.msk [tilespmem:v5+s8+$0x0], $0xffff  }
0x4b: {  	v4 =	vor.u32 $0x2, v2  }
0x4c: {  	v5 =	vor.u32 $0x3, v1;
	_ =	sdelay $0x3  }
0x4d: {  	[tilespmem:v4+s10+$0x0] =	vst.idx.msk $0xffff, v3  }
0x4e: {  	v3 =	vld.idx.msk [tilespmem:v5+s8+$0x0], $0xffff  }
0x4f: {  	v4 =	vor.u32 $0x3, v2  }
0x50: {  	v5 =	vadd.s32 $0x4, v1;
	_ =	sdelay $0x3  }
0x51: {  	[tilespmem:v4+s10+$0x0] =	vst.idx.msk $0xffff, v3  }
0x52: {  	v3 =	vld.idx.msk [tilespmem:v5+s8+$0x0], $0xffff  }
0x53: {  	v4 =	vor.u32 $0x4, v2  }
0x54: {  	v5 =	vadd.s32 $0x5, v1;
	_ =	sdelay $0x3  }
0x55: {  	[tilespmem:v4+s10+$0x0] =	vst.idx.msk $0xffff, v3  }
0x56: {  	v3 =	vld.idx.msk [tilespmem:v5+s8+$0x0], $0xffff  }
0x57: {  	v4 =	vor.u32 $0x5, v2  }
0x58: {  	v5 =	vadd.s32 $0x6, v1;
	_ =	sdelay $0x3  }
0x59: {  	[tilespmem:v4+s10+$0x0] =	vst.idx.msk $0xffff, v3  }
0x5a: {  	v3 =	vld.idx.msk [tilespmem:v5+s8+$0x0], $0xffff  }
0x5b: {  	v4 =	vor.u32 $0x6, v2  }
0x5c: {  	v5 =	vadd.s32 $0x7, v1;
	_ =	sdelay $0x3  }
0x5d: {  	[tilespmem:v4+s10+$0x0] =	vst.idx.msk $0xffff, v3  }
0x5e: {  	v3 =	vld.idx.msk [tilespmem:v5+s8+$0x0], $0xffff  }
0x5f: {  	v4 =	vor.u32 $0x7, v2  }
0x60: {  	v5 =	vadd.s32 $0x8, v1;
	_ =	sdelay $0x3  }
0x61: {  	[tilespmem:v4+s10+$0x0] =	vst.idx.msk $0xffff, v3  }
0x62: {  	v3 =	vld.idx.msk [tilespmem:v5+s8+$0x0], $0xffff  }
0x63: {  	v4 =	vor.u32 $0x8, v2  }
0x64: {  	v5 =	vadd.s32 $0x9, v1;
	_ =	sdelay $0x3  }
0x65: {  	[tilespmem:v4+s10+$0x0] =	vst.idx.msk $0xffff, v3  }
0x66: {  	v3 =	vld.idx.msk [tilespmem:v5+s8+$0x0], $0xffff  }
0x67: {  	v4 =	vor.u32 $0x9, v2  }
0x68: {  	v5 =	vadd.s32 $0xA, v1;
	_ =	sdelay $0x3  }
0x69: {  	[tilespmem:v4+s10+$0x0] =	vst.idx.msk $0xffff, v3  }
0x6a: {  	v3 =	vld.idx.msk [tilespmem:v5+s8+$0x0], $0xffff  }
0x6b: {  	v4 =	vor.u32 $0xA, v2  }
0x6c: {  	v1 =	vadd.s32 $0xB, v1;
	_ =	sdelay $0x1  }
.Ltmp0:
0x6d: {  	(pc) =	sbr.rel @p0 .LBB2_3-.Ltmp0, $4  }
0x6e: {  	_ = 	snop  }
0x6f: {  	[tilespmem:v4+s10+$0x0] =	vst.idx.msk $0xffff, v3  }
0x70: {  	v1 =	vld.idx.msk [tilespmem:v1+s8+$0x0], $0xffff  }
0x71: {  	v2 =	vor.u32 $0xB, v2  }
0x72: {  	_ =	sdelay $0x1  }
0x73: {  	s12 =	sadd.s32 $0x1, s12  }
0x74: {  	s13 =	sshll.u32 s13, $0x4;
	p0 =	sne.s32 s12, $0x80  }
.Ltmp1:
0x75: {  	s13 =	sadd.s32 s5, s13;
	[tilespmem:v2+s10+$0x0] =	vst.idx.msk $0xffff, v1;
	(pc) =	sbr.rel @p0 .LBB2_2-.Ltmp1, $4  }
0x76: {  	[hbm4b:s13+s2] =	stream.linear.scatter [tilespmem:s10], [sflag:$0x1], $0x19000, $0x38;
	[tilespmem:$0x19400] =	vst v63  }
0x77: {  	_ =	swait.ge [sflag:s9], $0x19000  }
0x78: {  	[sflag:s9] =	ssyncset.done $0x0  }
0x79: {  	[sflag:s9] =	ssyncadd.s32 $0xFFFE7000  }
0x7a: {  	s11 =	sadd.s32 $0x1, s11  }
0x7b: {  	p0 =	sne.s32 s11, s7  }
.Ltmp2:
0x7c: {  	_ = 	snop;
	(pc) =	sbr.rel @p0 .LBB2_1-.Ltmp2, $1  }
0x7d: {  	_ =	sdelay $0x3  }
0x7e: {  	_ =	sfence.sel $0x180000  }
0x7f: {  	[bflag:$0x0] =	sbarrier.arrive $0xFFFF  }
0x80: {  	p0 =	sne.s32 s3, $0x0;
	_ =	strace $0x90000047  }
0x81: {  	s0 =	sadd.s32 @!p0 $0x100000, s0;
	[bflag:$0x2] =	sbarrier.arrive $0xFFFF  }
0x82: {  	[sflag:s0] =	ssyncadd.tile.s32 @!p0 $0x1;
	_ =	shalt  }
.Lfunc_end2:
_tile_overlayer_lowered:
.L_overlay_start_2:
0x83: {  	(tag) =	ssettag $0x2  }
0x84: {  	s0 =	rddreg [dreg:$0x0];
	s2 =	stileid.u32  }
0x85: {  	s1 =	rddreg [dreg:$0x1];
	p0 =	sne.s32 s2, $0x0  }
0x86: {  	s3 =	rddreg [dreg:$0x2];
	[bflag:$0x3] =	sbarrier.arrive $0xFFFF;
	s2 =	simm.s32 @!p0 $0x1C01  }
0x87: {  	[timem:s3], [sflag:s2] =	dma.local @!p0 [hbm:s0], s1  }
0x88: {  	s0 =	simm.s32 @!p0 $0x1  }
0x89: {  	_ =	swait.ge @!p0 [sflag:s0], s1  }
0x8a: {  	s1 =	ssub.s32 @!p0 $0x0, s1;
	[sflag:s0] =	ssyncset.done @!p0 $0x0  }
0x8b: {  	[sflag:s0] =	ssyncadd.s32 @!p0 s1  }
0x8c: {  	[bflag:$0x3] =	sbarrier.arrive $0xFFFF  }
0x8d: {  	_ =	shalt  }

// kernel: sparse-core-data-format-call.cloned.1.call-start
scs
called_computation_lowered:
.L_overlay_start_0:
0x0: {  	s2 =	sld [smem:$0x3FD9]  }
0x1: {  	s3 =	sld [smem:$0x3FFE];
	_ =	sdelay $0x1  }
0x2: {  	s1 =	srdreg.scid  }
0x3: {  	s0 =	sand.u32 $0x1, s1  }
0x4: {  	s18 =	sshll.u32 s0, $0xA;
	s2 =	sadd.s32 s3, s2  }
0x5: {  	s2 =	sadd.s32 s2, s18  }
0x6: {  	[smem:$0x3FC6] =	sst s2  }
0x7: {  	_ = 	snop  }
0x8: {  	s2 =	sld [smem:$0x3FD0];
	(tm) =	ssettm $0x1  }
0x9: {  	s19 =	sld [smem:$0x3FFB];
	_ =	sdelay $0x3  }
0xa: {  	_ =	strace s19  }
0xb: {  	s3 =	sld [smem:$0x3FFC];
	_ =	sdelay $0x3  }
0xc: {  	_ =	strace s3  }
0xd: {  	s3 =	sld [smem:$0x3FFD];
	_ =	sdelay $0x3  }
0xe: {  	_ =	strace s3  }
0xf: {  	_ =	strace $0x8FFFFFFF  }
0x10: {  	s20 =	sld [smem:$0x3FDB];
	_ =	sdelay $0x1  }
0x11: {  	s4 =	simm.s32 $_scs_section_size  }
0x12: {  	s5 =	simm.s32 $_size__tile_overlayer_lowered;
	s6 =	simm.s32 $_tile_overlayer_lowered  }
0x13: {  	s23 =	simm.s32 $0x1BFF;
	s22 =	sshll.u32 s6, $0x1;
	s3 =	sadd.s32 s4, s20  }
0x14: {  	s7 =	simm.s32 $0x0;
	s21 =	sshll.u32 s5, $0x1;
	s5 =	sadd.s32 s22, s3  }
0x15: {  	[timem:s7], [sflag:s23] =	dma.local [hbm:s5], s21  }
0x16: {  	_ =	swait.ge [sflag:s23], s21  }
0x17: {  	s4 =	ssub.s32 $0x0, s21;
	[sflag:s23] =	ssyncset.done $0x0  }
0x18: {  	[sflag:s23] =	ssyncadd.s32 s4;
	_ =	sdelay $0x1  }
0x19: {  	s24 =	simm.s32 $0x1B8B  }
0x1a: {  	_ =	swait.ge [sflag:s24], $0x1  }
0x1b: {  	[sflag:s24] =	ssyncset.done $0x0  }
0x1c: {  	s26 =	simm.s32 $0x1B8E;
	s25 =	sld [smem:$0x3FFE];
	[sflag:s24] =	ssyncadd.s32 $0xFFFFFFFF  }
0x1d: {  	s27 =	simm.s32 $execute0_lowered;
	[smem:$0x3FD2] =	sst s26  }
0x1e: {  	s5 =	sshll.u32 s27, $0x1;
	_ =	strace $0x80000049;
	[dreg:$0x1] =	wrdreg $0xFFFFFFFF  }
0x1f: {  	s28 =	simm.s32 $_size_execute0_lowered;
	s3 =	sadd.s32 s3, s5;
	[dreg:$0x0] =	wrdreg $0x0  }
0x20: {  	s5 =	sshll.u32 s28, $0x1;
	[dreg:$0x2] =	wrdreg s3  }
0x21: {  	[dreg:$0x3] =	wrdreg s5  }
0x22: {  	[dreg:$0x4] =	wrdreg $0xC0  }
0x23: {  	_ =	task [dreg:s7], $0x5FFFF  }
0x24: {  	[dreg:$0x1] =	wrdreg $0xFFFFFFFF  }
0x25: {  	[dreg:$0x0] =	wrdreg $0x60  }
0x26: {  	[dreg:$0x2] =	wrdreg s25  }
0x27: {  	[dreg:$0x3] =	wrdreg s2  }
0x28: {  	[dreg:$0x4] =	wrdreg $0x9  }
0x29: {  	_ =	task.clear_ibuf [dreg:s7], $0x5FFFF;
	_ =	strace $0x90000049  }
0x2a: {  	s29 =	simm.s32 $0x9;
	_ =	strace $0x8000004B  }
0x2b: {  	_ =	swait.ge [sflag:s29], $0x1  }
0x2c: {  	[sflag:s29] =	ssyncadd.s32 $0xFFFFFFFF  }
0x2d: {  	_ =	strace $0x9000004B  }
0x2e: {  	_ =	sfence  }
0x2f: {  	s30 =	sld [smem:$0x0];
	_ =	sdelay $0x2  }
0x30: {  	s31 =	sshll.u32 s1, $0xD;
	s1 =	sshrl.u32 s1, $0x2  }
0x31: {  	s3 =	sand.u32 $0x4000, s31;
	s1 =	sadd.s32 s1, s30  }
0x32: {  	s0 =	sor.u32 s3, s0;
	s1 =	sshll.u32 s1, $0x11  }
0x33: {  	s0 =	sor.u32 s1, s0  }
0x34: {  	s0 =	sadd.s32 $0x8F2B, s0  }
0x35: {  	[sflag:s0] =	ssyncadd.remote.s32 $0x1  }
0x36: {  	_ =	sfence.sel $0xFFFF  }
0x37: {  	[dreg:$0x0] =	wrdreg $0xFFFFFFFF;
	(pc) =	sbr.abs _section_cstart, $3  }
0x38: {  	[dreg:$0x1] =	wrdreg $0xFFFFFFFF  }
0x39: {  	_ =	task.clear_ibuf [dreg:s7], $0x2FFFF;
	_ =	strace $0x9FFFFFFF  }
0x3a: {  	(tm) =	ssettm $0x7FFFFFFF  }
0x3b: {  	_ =	shalt  }
tec
execute0_lowered:
.L_overlay_start_1:
0x0: {  	(tag) =	ssettag $0x1  }
0x1: {  	s0 =	srdreg.scid  }
0x2: {  	s1 =	sshll.u32 s0, $0x4  }
0x3: {  	s6 =	rddreg [dreg:$0x0];
	s0 =	stileid.u32;
	s1 =	sand.u32 $0x10, s1  }
0x4: {  	s3 =	rddreg [dreg:$0x1];
	s1 =	sor.u32 s0, s1  }
0x5: {  	s5 =	simm.s32 $0x1;
	s31 =	simm.s32 $0x2;
	s2 =	sshll.u32 s1, $0x7  }
0x6: {  	s15 =	simm.s32 $0x0;
	s8 =	simm.s32 $0x320000;
	s4 =	ssub.s32 $0x4000, s2  }
0x7: {  	s14 =	simm.s32 $0x0;
	s9 =	simm.s32 $0x0;
	s30 =	sand.u32 $0xF80, s4  }
0x8: {  	s10 =	simm.s32 $0x0;
	s11 =	simm.s32 $0x0;
	p0 =	sne.s32 s30, $0x0  }
.Ltmp0:
0x9: {  	s7 =	sshrl.u32 s4, $0xC;
	s5 =	simm.s32 @!p0 $0x0;
	(pc) =	sbr.rel .LBB1_1-.Ltmp0, $4  }
0xa: {  	s13 =	simm.s32 $0x0;
	s1 =	rddreg [dreg:$0x2];
	s5 =	sadd.s32 s5, s7  }
0xb: {  	_ =	strace $0x8000004A;
	s4 =	simm.s32 $0x1;
	s5 =	smul.u32 $0xC8, s5  }
0xc: {  	s6 =	sadd.s32 $0xA00, s6;
	s12 =	smov.u32 s2;
	[sflag:s4] =	ssyncpa.u1 $0x0  }
0xd: {  	[sflag:s31] =	ssyncpa.u1 $0x0;
	p0 =	por $0x0, $0x0;
	s7 =	sor.u32 $0x1, s5  }
.LBB1_4:
0xe: {  	s18 =	sshll.u32 s9, $0xE;
	s19 =	sand.u32 $0x78, s10;
	s20 =	sshll.u32 s10, $0x3  }
0xf: {  	s22 =	sshll.u32 s9, $0x7;
	p1 =	sgt.s32 s9, $0xC7;
	s25 =	sshra.s32 s9, $0x1F  }
0x10: {  	s23 =	smov.u32 s10;
	s24 =	sshra.s32 s10, $0x1F;
	s29 =	sand.u32 $0x7, s10  }
0x11: {  	s18 =	sand.u32 $0xFFFE0000, s18;
	s21 =	sand.u32 $0xFFFFFC00, s20;
	s20 =	sand.u32 $0x3C00, s20  }
0x12: {  	s30 =	sand.u32 $0x380, s22;
	s22 =	sand.u32 s25, s9;
	s18 =	sadd.s32 s21, s18  }
0x13: {  	s19 =	sor.u32 s19, s20;
	s20 =	smov.u32 s9;
	s18 =	sshrl.u32 s18, $0xE  }
0x14: {  	s20 =	simm.s32 @!p1 $0xC7;
	p1 =	sgt.s32 s10, $0x3F80;
	s31 =	smulhi.u32 $0x147AE15, s18  }
0x15: {  	s26 =	sand.u32 s24, s10;
	s20 =	ssub.s32 s20, s22;
	s23 =	simm.s32 @!p1 $0x3F80  }
0x16: {  	s27 =	ssub.s32 $0xC8, s20;
	s22 =	ssub.s32 s23, s26;
	s21 =	smul.u32 $0xC8, s31  }
0x17: {  	s20 =	sadd.s32 $0xFFFFFF39, s20;
	s23 =	smul.u32 $0xC, s27;
	s28 =	sadd.s32 $0xFFFFC080, s22  }
0x18: {  	p1 =	sgt.s32 s20, $0x0;
	s20 =	ssub.s32 $0x4000, s22;
	p2 =	sgt.s32 s28, $0x7F  }
0x19: {  	s19 =	sor.u32 s30, s19;
	s23 =	simm.s32 @p1 $0x0;
	s20 =	simm.s32 @p2 $0x0  }
0x1a: {  	s19 =	sshrl.u32 s19, $0x3;
	s18 =	ssub.s32 s18, s21;
	s20 =	smul.u32 s20, s23  }
0x1b: {  	s19 =	sadd.s32 s3, s19;
	s21 =	sshll.u32 s29, $0x12;
	s18 =	sshll.u32 s18, $0xB  }
0x1c: {  	[tilespmem:s17+$0x0 ss:$0x81] =	vst.msk $0xffff, v0;
	s31 =	sor.u32 $0x80, s21;
	s18 =	sadd.s32 s18, s19;
	s30 =	sand.u32 $0x3FFFFFFC, s20  }
0x1d: {  	[hbm4b:s18+s31] =	stream.strided.scatter [tilespmem:s16], [sflag:$0x2], s30, s8, s31, $0x20;
	[tilespmem:$0x2020] =	vst v63  }
.LBB1_5:
0x1e: {  	p1 =	slt.u32 s13, $0x2  }
0x1f: {  	s17 =	smov.u32 s15;
	p2 =	sgt.s32 @!p1 s15, $0xC7;
	s16 =	sshra.s32 @!p1 s15, $0x1F  }
0x20: {  	p3 =	sgt.s32 @!p1 s14, $0x3F80;
	s18 =	sshra.s32 @!p1 s14, $0x1F;
	p2 =	por !p2, p1  }
0x21: {  	s15 =	sand.u32 @!p1 s16, s15;
	p3 =	por !p3, p1;
	s16 =	smov.u32 s14  }
0x22: {  	s14 =	sand.u32 @!p1 s18, s14;
	s17 =	simm.s32 @p2 $0xC7;
	s16 =	simm.s32 @p3 $0x3F80  }
0x23: {  	s18 =	smov.u32 s12;
	s15 =	ssub.s32 @!p1 s17, s15;
	s14 =	ssub.s32 @!p1 s16, s14  }
0x24: {  	s16 =	sadd.s32 @!p1 $0xFFFFFF39, s15;
	s15 =	ssub.s32 @!p1 $0xC8, s15;
	s17 =	sadd.s32 @!p1 $0xFFFFC080, s14  }
0x25: {  	p2 =	sgt.s32 @!p1 s16, $0x0;
	s15 =	smul.u32 @!p1 $0xC, s15;
	p3 =	sgt.s32 @!p1 s17, $0x7F  }
0x26: {  	s14 =	ssub.s32 @!p1 $0x4000, s14;
	p2 =	por !p2, p1;
	p3 =	por !p3, p1  }
0x27: {  	s16 =	sadd.s32 $0x1, s11;
	s15 =	simm.s32 @!p2 $0x0;
	s14 =	simm.s32 @!p3 $0x0  }
0x28: {  	p2 =	sgt.s32 s16, $0xC7;
	s14 =	smul.u32 @!p1 s14, s15;
	s15 =	sadd.s32 $0x1000, s12  }
0x29: {  	s18 =	smov.u32 @p2 s15  }
0x2a: {  	s16 =	simm.s32 @p2 $0x0;
	p2 =	sgt.s32 s18, $0x3FFF  }
0x2b: {  	s18 =	smov.u32 @p2 s2;
	p2 =	sne.s32 s13, s7  }
.Ltmp1:
0x2c: {  	p0 =	por !p0, !p0;
	s17 =	simm.s32 @!p1 $0x2;
	(pc) =	sbr.rel @!p2 .LBB1_6-.Ltmp1, $4  }
0x2d: {  	s15 =	smov.u32 s9;
	s9 =	smov.u32 s11;
	s14 =	sand.u32 @!p1 $0x3FFFFFFC, s14  }
0x2e: {  	s11 =	smov.u32 s16;
	_ =	swait.ge @!p1 [sflag:s17], s14;
	s19 =	ssub.s32 @!p1 $0x0, s14  }
0x2f: {  	s14 =	smov.u32 s10;
	s13 =	sadd.s32 $0x1, s13;
	[sflag:s17] =	ssyncset.done @!p1 $0x0  }
0x30: {  	s10 =	smov.u32 s12;
	s12 =	smov.u32 s18;
	[sflag:s17] =	ssyncadd.s32 @!p1 s19  }
.LBB1_1:
0x31: {  	p1 =	sge.u32 s13, s5  }
0x32: {  	s16 =	sand.u32 @!p1 $0x1FFFFFF, s11  }
0x33: {  	s17 =	smulhi.u32 @!p1 $0x147AE15, s16;
	_ =	sdelay $0x1  }
0x34: {  	s17 =	smul.u32 @!p1 $0xC8, s17  }
0x35: {  	s18 =	sxor.u32 @!p1 $0xFFFFFFFF, s13;
	s19 =	smul.u32 @!p1 $0xC80, s12  }
0x36: {  	s31 =	sadd.s32 $0xFFFFFFFF, s13;
	s18 =	sshll.u32 @!p1 s18, $0xB;
	s16 =	ssub.s32 @!p1 s16, s17  }
0x37: {  	s17 =	sand.u32 @!p1 $0x800, s18;
	s18 =	sadd.s32 @!p1 s6, s19;
	s16 =	sshll.u32 @!p1 s16, $0x4  }
0x38: {  	s19 =	simm.s32 @!p1 $0x6400;
	s16 =	sadd.s32 @!p1 s16, s18;
	s18 =	simm.s32 @!p1 $0x10  }
0x39: {  	[tilespmem:s17], [sflag:$0x1] =	stream.strided.gather @!p1 [hbm4b:s16+s18], $0x800, s19, s18, $0x38;
	[tilespmem:$0x2020] =	vst v63  }
0x3a: {  	p1 =	sge.u32 s31, s5  }
.Ltmp2:
0x3b: {  	_ = 	snop;
	(pc) =	sbr.rel @p1 .LBB1_5-.Ltmp2, $1  }
0x3c: {  	_ =	sdelay $0x3  }
0x3d: {  	s16 =	simm.s32 $0x1  }
0x3e: {  	s16 =	simm.s32 @!p0 $0x0  }
0x3f: {  	s17 =	sshll.u32 s16, $0xB  }
0x40: {  	v1 =	vmov s17;
	_ =	sdelay $0x1  }
0x41: {  	_ =	swait.ge [sflag:s4], $0x800  }
0x42: {  	s31 =	sand.u32 $0x1, s13;
	[sflag:s4] =	ssyncset.done $0x0  }
0x43: {  	s19 =	simm.s32 $0x0;
	s16 =	smul.u32 $0x2040, s16;
	[sflag:s4] =	ssyncadd.s32 $0xFFFFF800  }
0x44: {  	s17 =	smul.u32 $0x2040, s31;
	v0 =	vld.idx.msk [tilespmem:v1+s19+$0x0 ss:$0x1], $0xffff;
	_ =	sdelay $0x1  }
0x45: {  	s16 =	sshrl.u32 s16, $0x2;
	s18 =	sshrl.u32 s17, $0x2  }
0x46: {  	s17 =	sor.u32 $0x1000, s16;
	s16 =	sor.u32 $0x1000, s18;
	s18 =	simm.s32 $0x40  }
.LBB1_3:
0x47: {  	s19 =	sshra.s32 s18, $0x2;
	p1 =	sne.s32 s18, $0x1FC0;
	s18 =	sadd.s32 $0x40, s18  }
.Ltmp3:
0x48: {  	[tilespmem:s17+$0x0 ss:$0x81] =	vst.msk $0xffff, v0;
	v0 =	vld.idx.msk [tilespmem:v1+s19+$0x0 ss:$0x1], $0xffff;
	(pc) =	sbr.rel @p1 .LBB1_3-.Ltmp3, $2  }
0x49: {  	_ =	sdelay $0x2  }
0x4a: {  	s17 =	sadd.s32 $0x1, s17  }
.Ltmp4:
0x4b: {  	_ = 	snop;
	(pc) =	sbr.rel .LBB1_4-.Ltmp4, $1  }
0x4c: {  	_ =	sdelay $0x3  }
.LBB1_6:
0x4d: {  	_ =	sfence.sel $0x180000  }
0x4e: {  	s2 =	simm.s32 $0x1;
	[bflag:$0x0] =	sbarrier.arrive $0xFFFF  }
0x4f: {  	s31 =	simm.s32 $0x2;
	[sflag:s2] =	ssyncpa.u1 $0x1  }
0x50: {  	[sflag:s31] =	ssyncpa.u1 $0x1  }
0x51: {  	p0 =	sne.s32 s0, $0x0;
	_ =	strace $0x9000004A  }
0x52: {  	s0 =	sadd.s32 @!p0 $0x100000, s1;
	[bflag:$0x2] =	sbarrier.arrive $0xFFFF  }
0x53: {  	[sflag:s0] =	ssyncadd.tile.s32 @!p0 $0x1;
	_ =	shalt  }
.Lfunc_end1:
_tile_overlayer_lowered:
.L_overlay_start_2:
0x54: {  	(tag) =	ssettag $0x2  }
0x55: {  	s0 =	rddreg [dreg:$0x0];
	s2 =	stileid.u32  }
0x56: {  	s1 =	rddreg [dreg:$0x1];
	p0 =	sne.s32 s2, $0x0  }
0x57: {  	s3 =	rddreg [dreg:$0x2];
	[bflag:$0x3] =	sbarrier.arrive $0xFFFF;
	s2 =	simm.s32 @!p0 $0x1C01  }
0x58: {  	[timem:s3], [sflag:s2] =	dma.local @!p0 [hbm:s0], s1  }
0x59: {  	s0 =	simm.s32 @!p0 $0x1  }
0x5a: {  	_ =	swait.ge @!p0 [sflag:s0], s1  }
0x5b: {  	s1 =	ssub.s32 @!p0 $0x0, s1;
	[sflag:s0] =	ssyncset.done @!p0 $0x0  }
0x5c: {  	[sflag:s0] =	ssyncadd.s32 @!p0 s1  }
0x5d: {  	[bflag:$0x3] =	sbarrier.arrive $0xFFFF  }
0x5e: {  	_ =	shalt  }

</sc_bundles>
